<compile_context>
chip_gen: v7x
topology: tpu7x:2x2x1
jax: 0.10.2.dev20260603
libtpu: 0.0.44.dev20260713+nightly
codegen_flags: <defaults>
</compile_context>

<pallas_src>
import functools

import jax
import jax.numpy as jnp
from jax import lax
from jax.experimental import pallas as pl
from jax.experimental.pallas import tpu as pltpu
from jax.experimental.pallas import tpu_sc as plsc

_N = 10000
_E = 320000
_D = 128
_G = 64
_C = 10

_NC = 2
_NS = 16
_NTILES = _NC * _NS
_L = _D // _NTILES

_CH = 128
_SB = 40
_ESB = _SB * _CH
_NSB = 64
_EPAD = _NSB * _ESB
_GRP = _CH // 16

_NACC = 10112
_HR = -(-(_N * _L) // _D)
_AR = (_NACC * _L) // _D


def _sc_agg_body(hs_hbm, src_hbm, dst_hbm, zeros_hbm, out_hbm,
                 h_ts, acc_ts, sbufs, dbufs, sems):
    c = lax.axis_index("c")
    s = lax.axis_index("s")
    t = c * _NS + s

    pltpu.sync_copy(hs_hbm.at[t], h_ts)
    pltpu.sync_copy(zeros_hbm, acc_ts)
    pltpu.sync_copy(src_hbm.at[0], sbufs[0])
    pltpu.sync_copy(dst_hbm.at[0], dbufs[0])

    def pf_start(sb, b):
        pltpu.async_copy(src_hbm.at[sb], sbufs[b], sems[2 * b])
        pltpu.async_copy(dst_hbm.at[sb], dbufs[b], sems[2 * b + 1])

    def pf_wait(sb, b):
        pltpu.make_async_copy(src_hbm.at[sb], sbufs[b], sems[2 * b]).wait()
        pltpu.make_async_copy(dst_hbm.at[sb], dbufs[b], sems[2 * b + 1]).wait()

    def compute(sidx, didx):
        @plsc.parallel_loop(0, _SB * _GRP, unroll=1)
        def _group(gi):
            off = gi * 16
            sv = sidx[pl.ds(off, 16)]
            dv = didx[pl.ds(off, 16)]
            sa = sv << 2
            da = dv << 2
            for l in range(_L):
                v = plsc.load_gather(h_ts, [sa + l])
                plsc.addupdate_scatter(acc_ts, [da + l], v)

    def pair(sb2, carry):
        sb0 = 2 * sb2
        pf_start(sb0 + 1, 1)
        compute(sbufs[0], dbufs[0])
        pf_wait(sb0 + 1, 1)

        @pl.when(sb2 < _NSB // 2 - 1)
        def _():
            pf_start(sb0 + 2, 0)

        compute(sbufs[1], dbufs[1])

        @pl.when(sb2 < _NSB // 2 - 1)
        def _():
            pf_wait(sb0 + 2, 0)

        return carry

    lax.fori_loop(0, _NSB // 2, pair, 0)

    pltpu.sync_copy(acc_ts, out_hbm.at[t])


@functools.partial(jax.jit, static_argnames=())
def _sc_agg(hs, src_pad, dst_pad, zeros_tile):
    mesh = plsc.VectorSubcoreMesh(core_axis_name="c", subcore_axis_name="s")
    return pl.kernel(
        _sc_agg_body,
        out_type=jax.ShapeDtypeStruct((_NTILES, _AR * _D), jnp.float32),
        mesh=mesh,
        compiler_params=pltpu.CompilerParams(needs_layout_passes=False),
        scratch_types=[
            pltpu.VMEM((_HR * _D,), jnp.float32),
            pltpu.VMEM((_AR * _D,), jnp.float32),
            [pltpu.VMEM((_ESB,), jnp.int32) for _ in range(2)],
            [pltpu.VMEM((_ESB,), jnp.int32) for _ in range(2)],
            [pltpu.SemaphoreType.DMA for _ in range(4)],
        ],
    )(hs, src_pad, dst_pad, zeros_tile)


def _pack_h(h):
    hp = h.reshape(_N, _NTILES, _L).transpose(1, 0, 2).reshape(_NTILES, _N * _L)
    return jnp.pad(hp, ((0, 0), (0, _HR * _D - _N * _L)))


def _unpack_agg(out):
    a = out[:, :_N * _L].reshape(_NTILES, _N, _L)
    return a.transpose(1, 0, 2).reshape(_N, _D)


_BN = 1000
_NBLK = _N // _BN


def _mlp_body(x_ref, agg_ref, w1_ref, b1_ref, g_ref, bt_ref, w2_ref, b2_ref,
              batch_ref, h_ref, pool_ref):
    i = pl.program_id(0)
    z = x_ref[...] + agg_ref[...]
    a = jnp.dot(z, w1_ref[...], preferred_element_type=jnp.float32) + b1_ref[...]
    a = a * g_ref[...] + bt_ref[...]
    a = jnp.maximum(a, 0.0)
    h = jnp.dot(a, w2_ref[...], preferred_element_type=jnp.float32) + b2_ref[...]
    h = jnp.maximum(h, 0.0)
    h_ref[...] = h
    gids = batch_ref[...]
    cols = lax.broadcasted_iota(jnp.int32, (_BN, _G), 1)
    onehot = jnp.where(gids == cols, 1.0, 0.0)

    @pl.when(i == 0)
    def _():
        pool_ref[...] = jnp.zeros_like(pool_ref)

    pool_ref[...] += jnp.dot(onehot.T, h, preferred_element_type=jnp.float32)


def _mlp_pool(x, agg, w1, b1, g, bt, w2, b2, batch2d, interpret=False):
    return pl.pallas_call(
        _mlp_body,
        grid=(_NBLK,),
        in_specs=[
            pl.BlockSpec((_BN, _D), lambda i: (i, 0)),
            pl.BlockSpec((_BN, _D), lambda i: (i, 0)),
            pl.BlockSpec((_D, _D), lambda i: (0, 0)),
            pl.BlockSpec((1, _D), lambda i: (0, 0)),
            pl.BlockSpec((1, _D), lambda i: (0, 0)),
            pl.BlockSpec((1, _D), lambda i: (0, 0)),
            pl.BlockSpec((_D, _D), lambda i: (0, 0)),
            pl.BlockSpec((1, _D), lambda i: (0, 0)),
            pl.BlockSpec((_BN, 1), lambda i: (i, 0)),
        ],
        out_specs=[
            pl.BlockSpec((_BN, _D), lambda i: (i, 0)),
            pl.BlockSpec((_G, _D), lambda i: (0, 0)),
        ],
        out_shape=[
            jax.ShapeDtypeStruct((_N, _D), jnp.float32),
            jax.ShapeDtypeStruct((_G, _D), jnp.float32),
        ],
        interpret=interpret,
    )(x, agg, w1, b1, g, bt, w2, b2, batch2d)


def _head_body(p1_ref, p2_ref, p3_ref, w1_ref, b1_ref, w2_ref, b2_ref, o_ref):
    h = jnp.concatenate((p1_ref[...], p2_ref[...], p3_ref[...]), axis=1)
    h = jnp.dot(h, w1_ref[...], preferred_element_type=jnp.float32) + b1_ref[...]
    h = jnp.maximum(h, 0.0)
    logits = jnp.dot(h, w2_ref[...], preferred_element_type=jnp.float32) + b2_ref[...]
    valid = lax.broadcasted_iota(jnp.int32, (_G, _D), 1) < _C
    neg = jnp.float32(-1e30)
    mx = jnp.max(jnp.where(valid, logits, neg), axis=1, keepdims=True)
    ex = jnp.where(valid, jnp.exp(logits - mx), 0.0)
    lse = jnp.log(jnp.sum(ex, axis=1, keepdims=True))
    o_ref[...] = logits - mx - lse


def _head(p1, p2, p3, w1, b1, w2pad, b2pad, interpret=False):
    return pl.pallas_call(
        _head_body,
        out_shape=jax.ShapeDtypeStruct((_G, _D), jnp.float32),
        interpret=interpret,
    )(p1, p2, p3, w1, b1, w2pad, b2pad)


def kernel(x, edge_index, batch, params):
    src = edge_index[0].astype(jnp.int32)
    dst = edge_index[1].astype(jnp.int32)
    npad = _EPAD - _E
    src_pad = jnp.concatenate(
        [src, jnp.zeros((npad,), jnp.int32)]).reshape(_NSB, _ESB)
    dst_pad = jnp.concatenate(
        [dst, _N + (jnp.arange(npad, dtype=jnp.int32) % (_NACC - _N))]
    ).reshape(_NSB, _ESB)
    zeros_tile = jnp.zeros((_AR * _D,), jnp.float32)
    batch2d = batch.astype(jnp.int32).reshape(_N, 1)

    bn_scale = 1.0 / jnp.sqrt(jnp.float32(1.0 + 1e-5))

    def layer(h, l):
        agg = _unpack_agg(_sc_agg(_pack_h(h), src_pad, dst_pad, zeros_tile))
        return _mlp_pool(
            h, agg,
            params[f'c{l}_W1'], params[f'c{l}_b1'].reshape(1, _D),
            (params[f'c{l}_gamma'] * bn_scale).reshape(1, _D),
            params[f'c{l}_beta'].reshape(1, _D),
            params[f'c{l}_W2'], params[f'c{l}_b2'].reshape(1, _D),
            batch2d)

    h1, p1 = layer(x, 1)
    h2, p2 = layer(h1, 2)
    _, p3 = layer(h2, 3)

    w2pad = jnp.zeros((3 * _D, _D), jnp.float32).at[:, :_C].set(params['lin2_W'])
    b2pad = jnp.zeros((1, _D), jnp.float32).at[0, :_C].set(params['lin2_b'])
    out = _head(p1, p2, p3,
                params['lin1_W'], params['lin1_b'].reshape(1, 3 * _D),
                w2pad, b2pad)
    return out[:, :_C]

# --- scband reference (transcript-rebuilt; emitter-appended) ---
"""Pipeline reference for scband-gin-7017976562247 (READ-ONLY COPY).

The authoritative reference and input builder live on the scoring server;
editing this copy changes nothing except your own understanding.
"""

import jax, jax.numpy as jnp
import numpy as np

N = 10000
E = 320000
D = 128
DH = 128
C = 10
G = 64


def setup_inputs(seed: int = 0) -> dict:
    key = jax.random.key(seed)
    ks = jax.random.split(key, 16)
    x = jax.random.normal(ks[0], (N, D), dtype=jnp.float32)
    edge_index = jax.random.randint(ks[1], (2, E), 0, N, dtype=jnp.int64 if jax.config.jax_enable_x64 else jnp.int32)
    batch = jnp.sort(jax.random.randint(ks[2], (N,), 0, G, dtype=jnp.int32))
    params = {}
    i = 3
    for l in range(1, 4):
        din = D if l == 1 else DH
        params[f'c{l}_W1'] = jax.random.normal(ks[i], (din, DH), dtype=jnp.float32) * (1.0 / np.sqrt(din)); i += 1
        params[f'c{l}_b1'] = jnp.zeros((DH,), dtype=jnp.float32)
        params[f'c{l}_gamma'] = jnp.ones((DH,), dtype=jnp.float32)
        params[f'c{l}_beta'] = jnp.zeros((DH,), dtype=jnp.float32)
        params[f'c{l}_W2'] = jax.random.normal(ks[i], (DH, DH), dtype=jnp.float32) * (1.0 / np.sqrt(DH)); i += 1
        params[f'c{l}_b2'] = jnp.zeros((DH,), dtype=jnp.float32)
    params['lin1_W'] = jax.random.normal(ks[i], (3 * DH, 3 * DH), dtype=jnp.float32) * (1.0 / np.sqrt(3 * DH)); i += 1
    params['lin1_b'] = jnp.zeros((3 * DH,), dtype=jnp.float32)
    params['lin2_W'] = jax.random.normal(ks[i], (3 * DH, C), dtype=jnp.float32) * (1.0 / np.sqrt(3 * DH)); i += 1
    params['lin2_b'] = jnp.zeros((C,), dtype=jnp.float32)
    return {"x": x, "edge_index": edge_index, "batch": batch, "params": params}


def _gin_conv(h, edge_index, params, l):
    # GINConv with eps=0: MLP((1+eps)*x + sum_{j in N(i)} x_j)
    src = edge_index[0]
    dst = edge_index[1]
    agg = jnp.zeros_like(h).at[dst].add(h[src])
    z = h + agg
    z = z @ params[f'c{l}_W1'] + params[f'c{l}_b1']
    # BatchNorm1d in eval mode: running_mean=0, running_var=1, eps=1e-5
    z = z / jnp.sqrt(1.0 + 1e-5) * params[f'c{l}_gamma'] + params[f'c{l}_beta']
    z = jax.nn.relu(z)
    z = z @ params[f'c{l}_W2'] + params[f'c{l}_b2']
    z = jax.nn.relu(z)
    return z


def reference(x, edge_index, batch, params):
    h1 = _gin_conv(x, edge_index, params, 1)
    h2 = _gin_conv(h1, edge_index, params, 2)
    h3 = _gin_conv(h2, edge_index, params, 3)
    p1 = jax.ops.segment_sum(h1, batch, num_segments=G)
    p2 = jax.ops.segment_sum(h2, batch, num_segments=G)
    p3 = jax.ops.segment_sum(h3, batch, num_segments=G)
    h = jnp.concatenate((p1, p2, p3), axis=1)
    h = h @ params['lin1_W'] + params['lin1_b']
    h = jax.nn.relu(h)
    # dropout p=0.5 is identity in eval mode
    h = h @ params['lin2_W'] + params['lin2_b']
    return jax.nn.log_softmax(h, axis=1)

if __name__ == "__main__":
    import jax
    _d = setup_inputs()
    print(jax.jit(kernel)(*tuple(_d.values())))

</pallas_src>

<mosaic_0001>
#map = affine_map<(d0, d1) -> (0, 0)>
#map1 = affine_map<(d0, d1) -> (0)>
module attributes {stable_mosaic.version = 14 : i64} {
  func.func @_sc_agg_body(%arg0: i32, %arg1: i32, %arg2: memref<32x40064xf32, #tpu.memory_space<hbm>>, %arg3: memref<64x5120xi32, #tpu.memory_space<hbm>>, %arg4: memref<64x5120xi32, #tpu.memory_space<hbm>>, %arg5: memref<40448xf32, #tpu.memory_space<hbm>>, %arg6: memref<32x40448xf32, #tpu.memory_space<hbm>>, %arg7: memref<40064xf32, #tpu.memory_space<vmem>>, %arg8: memref<40448xf32, #tpu.memory_space<vmem>>, %arg9: memref<5120xi32, #tpu.memory_space<vmem>>, %arg10: memref<5120xi32, #tpu.memory_space<vmem>>, %arg11: memref<5120xi32, #tpu.memory_space<vmem>>, %arg12: memref<5120xi32, #tpu.memory_space<vmem>>, %arg13: memref<!tpu.dma_semaphore, #tpu.memory_space<semaphore_mem>>, %arg14: memref<!tpu.dma_semaphore, #tpu.memory_space<semaphore_mem>>, %arg15: memref<!tpu.dma_semaphore, #tpu.memory_space<semaphore_mem>>, %arg16: memref<!tpu.dma_semaphore, #tpu.memory_space<semaphore_mem>>) attributes {dimension_semantics = [#tpu.dimension_semantics<core_parallel>, #tpu.dimension_semantics<subcore_parallel>], iteration_bounds = array<i64: 2, 16>, scalar_prefetch = 0 : i64, scratch_operands = 10 : i64, tpu.core_type = #tpu.core_type<sc_vector_subcore>, window_params = [{transform_indices = #map}, {transform_indices = #map}, {transform_indices = #map}, {transform_indices = #map1}, {transform_indices = #map}]} {
    %mul3A = arith.constant 16 : i32
    %mul3A_0 = arith.muli %arg0, %mul3A : i32
    %add3A = arith.addi %mul3A_0, %arg1 : i32
    "tpu.region"() ({
      %run_scoped3A_7 = tpu.sem_alloc : memref<!tpu.dma_semaphore, #tpu.memory_space<semaphore_mem>>
      %dma_start3A = arith.constant 0 : i32
      %dma_start3A_8 = tpu.memref_slice %arg2[%add3A, %dma_start3A] : memref<32x40064xf32, #tpu.memory_space<hbm>> -> memref<1x40064xf32, #tpu.memory_space<hbm>>
      %dma_start3A_9 = tpu.memref_squeeze %dma_start3A_8 : memref<1x40064xf32, #tpu.memory_space<hbm>> -> memref<40064xf32, #tpu.memory_space<hbm>>
      %dma_start3A_10 = arith.constant 0 : i32
      %dma_start3A_11 = tpu.memref_slice %arg2[%add3A, %dma_start3A_10] : memref<32x40064xf32, #tpu.memory_space<hbm>> -> memref<1x40064xf32, #tpu.memory_space<hbm>>
      %dma_start3A_12 = tpu.memref_squeeze %dma_start3A_11 : memref<1x40064xf32, #tpu.memory_space<hbm>> -> memref<40064xf32, #tpu.memory_space<hbm>>
      tpu.enqueue_dma source(%dma_start3A_12 : memref<40064xf32, #tpu.memory_space<hbm>>) target(%arg7 : memref<40064xf32, #tpu.memory_space<vmem>>) target_semaphore(%run_scoped3A_7 : memref<!tpu.dma_semaphore, #tpu.memory_space<semaphore_mem>>)
      %dma_wait3A = arith.constant 0 : i32
      %dma_wait3A_13 = tpu.memref_slice %arg2[%add3A, %dma_wait3A] : memref<32x40064xf32, #tpu.memory_space<hbm>> -> memref<1x40064xf32, #tpu.memory_space<hbm>>
      %dma_wait3A_14 = tpu.memref_squeeze %dma_wait3A_13 : memref<1x40064xf32, #tpu.memory_space<hbm>> -> memref<40064xf32, #tpu.memory_space<hbm>>
      %dma_wait3A_15 = arith.constant 0 : i32
      %dma_wait3A_16 = tpu.memref_slice %arg2[%add3A, %dma_wait3A_15] : memref<32x40064xf32, #tpu.memory_space<hbm>> -> memref<1x40064xf32, #tpu.memory_space<hbm>>
      %dma_wait3A_17 = tpu.memref_squeeze %dma_wait3A_16 : memref<1x40064xf32, #tpu.memory_space<hbm>> -> memref<40064xf32, #tpu.memory_space<hbm>>
      tpu.wait_dma2 semaphore(%run_scoped3A_7 : memref<!tpu.dma_semaphore, #tpu.memory_space<semaphore_mem>>) src(%dma_wait3A_17 : memref<40064xf32, #tpu.memory_space<hbm>>) dst(%arg7 : memref<40064xf32, #tpu.memory_space<vmem>>)
      tpu.yield
    }) : () -> ()
    "tpu.region"() ({
      %run_scoped3A_7 = tpu.sem_alloc : memref<!tpu.dma_semaphore, #tpu.memory_space<semaphore_mem>>
      tpu.enqueue_dma source(%arg5 : memref<40448xf32, #tpu.memory_space<hbm>>) target(%arg8 : memref<40448xf32, #tpu.memory_space<vmem>>) target_semaphore(%run_scoped3A_7 : memref<!tpu.dma_semaphore, #tpu.memory_space<semaphore_mem>>)
      tpu.wait_dma2 semaphore(%run_scoped3A_7 : memref<!tpu.dma_semaphore, #tpu.memory_space<semaphore_mem>>) src(%arg5 : memref<40448xf32, #tpu.memory_space<hbm>>) dst(%arg8 : memref<40448xf32, #tpu.memory_space<vmem>>)
      tpu.yield
    }) : () -> ()
    %run_scoped3A = arith.constant 0 : i32
    "tpu.region"() ({
      %run_scoped3A_7 = tpu.sem_alloc : memref<!tpu.dma_semaphore, #tpu.memory_space<semaphore_mem>>
      %dma_start3A = arith.constant 0 : i32
      %dma_start3A_8 = tpu.memref_slice %arg3[%run_scoped3A, %dma_start3A] : memref<64x5120xi32, #tpu.memory_space<hbm>> -> memref<1x5120xi32, #tpu.memory_space<hbm>>
      %dma_start3A_9 = tpu.memref_squeeze %dma_start3A_8 : memref<1x5120xi32, #tpu.memory_space<hbm>> -> memref<5120xi32, #tpu.memory_space<hbm>>
      %dma_start3A_10 = arith.constant 0 : i32
      %dma_start3A_11 = tpu.memref_slice %arg3[%run_scoped3A, %dma_start3A_10] : memref<64x5120xi32, #tpu.memory_space<hbm>> -> memref<1x5120xi32, #tpu.memory_space<hbm>>
      %dma_start3A_12 = tpu.memref_squeeze %dma_start3A_11 : memref<1x5120xi32, #tpu.memory_space<hbm>> -> memref<5120xi32, #tpu.memory_space<hbm>>
      tpu.enqueue_dma source(%dma_start3A_12 : memref<5120xi32, #tpu.memory_space<hbm>>) target(%arg9 : memref<5120xi32, #tpu.memory_space<vmem>>) target_semaphore(%run_scoped3A_7 : memref<!tpu.dma_semaphore, #tpu.memory_space<semaphore_mem>>)
      %dma_wait3A = arith.constant 0 : i32
      %dma_wait3A_13 = tpu.memref_slice %arg3[%run_scoped3A, %dma_wait3A] : memref<64x5120xi32, #tpu.memory_space<hbm>> -> memref<1x5120xi32, #tpu.memory_space<hbm>>
      %dma_wait3A_14 = tpu.memref_squeeze %dma_wait3A_13 : memref<1x5120xi32, #tpu.memory_space<hbm>> -> memref<5120xi32, #tpu.memory_space<hbm>>
      %dma_wait3A_15 = arith.constant 0 : i32
      %dma_wait3A_16 = tpu.memref_slice %arg3[%run_scoped3A, %dma_wait3A_15] : memref<64x5120xi32, #tpu.memory_space<hbm>> -> memref<1x5120xi32, #tpu.memory_space<hbm>>
      %dma_wait3A_17 = tpu.memref_squeeze %dma_wait3A_16 : memref<1x5120xi32, #tpu.memory_space<hbm>> -> memref<5120xi32, #tpu.memory_space<hbm>>
      tpu.wait_dma2 semaphore(%run_scoped3A_7 : memref<!tpu.dma_semaphore, #tpu.memory_space<semaphore_mem>>) src(%dma_wait3A_17 : memref<5120xi32, #tpu.memory_space<hbm>>) dst(%arg9 : memref<5120xi32, #tpu.memory_space<vmem>>)
      tpu.yield
    }) : () -> ()
    %run_scoped3A_1 = arith.constant 0 : i32
    "tpu.region"() ({
      %run_scoped3A_7 = tpu.sem_alloc : memref<!tpu.dma_semaphore, #tpu.memory_space<semaphore_mem>>
      %dma_start3A = arith.constant 0 : i32
      %dma_start3A_8 = tpu.memref_slice %arg4[%run_scoped3A_1, %dma_start3A] : memref<64x5120xi32, #tpu.memory_space<hbm>> -> memref<1x5120xi32, #tpu.memory_space<hbm>>
      %dma_start3A_9 = tpu.memref_squeeze %dma_start3A_8 : memref<1x5120xi32, #tpu.memory_space<hbm>> -> memref<5120xi32, #tpu.memory_space<hbm>>
      %dma_start3A_10 = arith.constant 0 : i32
      %dma_start3A_11 = tpu.memref_slice %arg4[%run_scoped3A_1, %dma_start3A_10] : memref<64x5120xi32, #tpu.memory_space<hbm>> -> memref<1x5120xi32, #tpu.memory_space<hbm>>
      %dma_start3A_12 = tpu.memref_squeeze %dma_start3A_11 : memref<1x5120xi32, #tpu.memory_space<hbm>> -> memref<5120xi32, #tpu.memory_space<hbm>>
      tpu.enqueue_dma source(%dma_start3A_12 : memref<5120xi32, #tpu.memory_space<hbm>>) target(%arg11 : memref<5120xi32, #tpu.memory_space<vmem>>) target_semaphore(%run_scoped3A_7 : memref<!tpu.dma_semaphore, #tpu.memory_space<semaphore_mem>>)
      %dma_wait3A = arith.constant 0 : i32
      %dma_wait3A_13 = tpu.memref_slice %arg4[%run_scoped3A_1, %dma_wait3A] : memref<64x5120xi32, #tpu.memory_space<hbm>> -> memref<1x5120xi32, #tpu.memory_space<hbm>>
      %dma_wait3A_14 = tpu.memref_squeeze %dma_wait3A_13 : memref<1x5120xi32, #tpu.memory_space<hbm>> -> memref<5120xi32, #tpu.memory_space<hbm>>
      %dma_wait3A_15 = arith.constant 0 : i32
      %dma_wait3A_16 = tpu.memref_slice %arg4[%run_scoped3A_1, %dma_wait3A_15] : memref<64x5120xi32, #tpu.memory_space<hbm>> -> memref<1x5120xi32, #tpu.memory_space<hbm>>
      %dma_wait3A_17 = tpu.memref_squeeze %dma_wait3A_16 : memref<1x5120xi32, #tpu.memory_space<hbm>> -> memref<5120xi32, #tpu.memory_space<hbm>>
      tpu.wait_dma2 semaphore(%run_scoped3A_7 : memref<!tpu.dma_semaphore, #tpu.memory_space<semaphore_mem>>) src(%dma_wait3A_17 : memref<5120xi32, #tpu.memory_space<hbm>>) dst(%arg11 : memref<5120xi32, #tpu.memory_space<vmem>>)
      tpu.yield
    }) : () -> ()
    %scan3A = arith.constant 0 : i32
    %scan3A_2 = arith.constant 0 : i32
    %scan3A_3 = arith.constant 32 : i32
    %scan3A_4 = arith.addi %scan3A_2, %scan3A_3 : i32
    %scan3A_5 = arith.constant 1 : i32
    scf.for %scan3A_7 = %scan3A_2 to %scan3A_4 step %scan3A_5  : i32 {
      %mul3A_8 = arith.constant 2 : i32
      %mul3A_9 = arith.muli %mul3A_8, %scan3A_7 : i32
      %add3A_10 = arith.constant 1 : i32
      %add3A_11 = arith.addi %mul3A_9, %add3A_10 : i32
      %dma_start3A = arith.constant 0 : i32
      %dma_start3A_12 = tpu.memref_slice %arg3[%add3A_11, %dma_start3A] : memref<64x5120xi32, #tpu.memory_space<hbm>> -> memref<1x5120xi32, #tpu.memory_space<hbm>>
      %dma_start3A_13 = tpu.memref_squeeze %dma_start3A_12 : memref<1x5120xi32, #tpu.memory_space<hbm>> -> memref<5120xi32, #tpu.memory_space<hbm>>
      %dma_start3A_14 = arith.constant 0 : i32
      %dma_start3A_15 = tpu.memref_slice %arg3[%add3A_11, %dma_start3A_14] : memref<64x5120xi32, #tpu.memory_space<hbm>> -> memref<1x5120xi32, #tpu.memory_space<hbm>>
      %dma_start3A_16 = tpu.memref_squeeze %dma_start3A_15 : memref<1x5120xi32, #tpu.memory_space<hbm>> -> memref<5120xi32, #tpu.memory_space<hbm>>
      tpu.enqueue_dma source(%dma_start3A_16 : memref<5120xi32, #tpu.memory_space<hbm>>) target(%arg10 : memref<5120xi32, #tpu.memory_space<vmem>>) target_semaphore(%arg15 : memref<!tpu.dma_semaphore, #tpu.memory_space<semaphore_mem>>)
      %dma_start3A_17 = arith.constant 0 : i32
      %dma_start3A_18 = tpu.memref_slice %arg4[%add3A_11, %dma_start3A_17] : memref<64x5120xi32, #tpu.memory_space<hbm>> -> memref<1x5120xi32, #tpu.memory_space<hbm>>
      %dma_start3A_19 = tpu.memref_squeeze %dma_start3A_18 : memref<1x5120xi32, #tpu.memory_space<hbm>> -> memref<5120xi32, #tpu.memory_space<hbm>>
      %dma_start3A_20 = arith.constant 0 : i32
      %dma_start3A_21 = tpu.memref_slice %arg4[%add3A_11, %dma_start3A_20] : memref<64x5120xi32, #tpu.memory_space<hbm>> -> memref<1x5120xi32, #tpu.memory_space<hbm>>
      %dma_start3A_22 = tpu.memref_squeeze %dma_start3A_21 : memref<1x5120xi32, #tpu.memory_space<hbm>> -> memref<5120xi32, #tpu.memory_space<hbm>>
      tpu.enqueue_dma source(%dma_start3A_22 : memref<5120xi32, #tpu.memory_space<hbm>>) target(%arg12 : memref<5120xi32, #tpu.memory_space<vmem>>) target_semaphore(%arg16 : memref<!tpu.dma_semaphore, #tpu.memory_space<semaphore_mem>>)
      %parallel_loop3A = arith.constant 0 : i32
      %parallel_loop3A_23 = arith.constant 320 : i32
      %parallel_loop3A_24 = arith.constant 1 : i32
      scf.for %parallel_loop3A_48 = %parallel_loop3A to %parallel_loop3A_23 step %parallel_loop3A_24  : i32 {
        %parallel_loop3A_49 = arith.constant 16 : i32
        %parallel_loop3A_50 = arith.muli %parallel_loop3A_48, %parallel_loop3A_49 : i32
        %parallel_loop3A_51 = arith.index_cast %parallel_loop3A_50 : i32 to index
        %parallel_loop3A_52 = tpu.vector_load %arg9[%parallel_loop3A_51] {strides = array<i32>} : memref<5120xi32, #tpu.memory_space<vmem>>, vector<16xi32>,
        %parallel_loop3A_53 = arith.index_cast %parallel_loop3A_50 : i32 to index
        %parallel_loop3A_54 = tpu.vector_load %arg11[%parallel_loop3A_53] {strides = array<i32>} : memref<5120xi32, #tpu.memory_space<vmem>>, vector<16xi32>,
        %parallel_loop3A_55 = arith.constant 2 : i32
        %parallel_loop3A_56 = vector.broadcast %parallel_loop3A_55 : i32 to vector<16xi32>
        %parallel_loop3A_57 = arith.shli %parallel_loop3A_52, %parallel_loop3A_56 : vector<16xi32>
        %parallel_loop3A_58 = arith.constant 2 : i32
        %parallel_loop3A_59 = vector.broadcast %parallel_loop3A_58 : i32 to vector<16xi32>
        %parallel_loop3A_60 = arith.shli %parallel_loop3A_54, %parallel_loop3A_59 : vector<16xi32>
        %parallel_loop3A_61 = arith.constant 0 : i32
        %parallel_loop3A_62 = vector.broadcast %parallel_loop3A_61 : i32 to vector<16xi32>
        %parallel_loop3A_63 = arith.addi %parallel_loop3A_57, %parallel_loop3A_62 : vector<16xi32>
        %parallel_loop3A_64 = tpu.vector_load_idx %arg7[%parallel_loop3A_63] : memref<40064xf32, #tpu.memory_space<vmem>>[vector<16xi32>], vector<16xf32>,
        %parallel_loop3A_65 = arith.constant 0 : i32
        %parallel_loop3A_66 = vector.broadcast %parallel_loop3A_65 : i32 to vector<16xi32>
        %parallel_loop3A_67 = arith.addi %parallel_loop3A_60, %parallel_loop3A_66 : vector<16xi32>
        tpu.vector_store_idx %arg8[%parallel_loop3A_67], %parallel_loop3A_64 {add = true} : memref<40448xf32, #tpu.memory_space<vmem>>[vector<16xi32>], vector<16xf32>,
        %parallel_loop3A_68 = arith.constant 1 : i32
        %parallel_loop3A_69 = vector.broadcast %parallel_loop3A_68 : i32 to vector<16xi32>
        %parallel_loop3A_70 = arith.addi %parallel_loop3A_57, %parallel_loop3A_69 : vector<16xi32>
        %parallel_loop3A_71 = tpu.vector_load_idx %arg7[%parallel_loop3A_70] : memref<40064xf32, #tpu.memory_space<vmem>>[vector<16xi32>], vector<16xf32>,
        %parallel_loop3A_72 = arith.constant 1 : i32
        %parallel_loop3A_73 = vector.broadcast %parallel_loop3A_72 : i32 to vector<16xi32>
        %parallel_loop3A_74 = arith.addi %parallel_loop3A_60, %parallel_loop3A_73 : vector<16xi32>
        tpu.vector_store_idx %arg8[%parallel_loop3A_74], %parallel_loop3A_71 {add = true} : memref<40448xf32, #tpu.memory_space<vmem>>[vector<16xi32>], vector<16xf32>,
        %parallel_loop3A_75 = arith.constant 2 : i32
        %parallel_loop3A_76 = vector.broadcast %parallel_loop3A_75 : i32 to vector<16xi32>
        %parallel_loop3A_77 = arith.addi %parallel_loop3A_57, %parallel_loop3A_76 : vector<16xi32>
        %parallel_loop3A_78 = tpu.vector_load_idx %arg7[%parallel_loop3A_77] : memref<40064xf32, #tpu.memory_space<vmem>>[vector<16xi32>], vector<16xf32>,
        %parallel_loop3A_79 = arith.constant 2 : i32
        %parallel_loop3A_80 = vector.broadcast %parallel_loop3A_79 : i32 to vector<16xi32>
        %parallel_loop3A_81 = arith.addi %parallel_loop3A_60, %parallel_loop3A_80 : vector<16xi32>
        tpu.vector_store_idx %arg8[%parallel_loop3A_81], %parallel_loop3A_78 {add = true} : memref<40448xf32, #tpu.memory_space<vmem>>[vector<16xi32>], vector<16xf32>,
        %parallel_loop3A_82 = arith.constant 3 : i32
        %parallel_loop3A_83 = vector.broadcast %parallel_loop3A_82 : i32 to vector<16xi32>
        %parallel_loop3A_84 = arith.addi %parallel_loop3A_57, %parallel_loop3A_83 : vector<16xi32>
        %parallel_loop3A_85 = tpu.vector_load_idx %arg7[%parallel_loop3A_84] : memref<40064xf32, #tpu.memory_space<vmem>>[vector<16xi32>], vector<16xf32>,
        %parallel_loop3A_86 = arith.constant 3 : i32
        %parallel_loop3A_87 = vector.broadcast %parallel_loop3A_86 : i32 to vector<16xi32>
        %parallel_loop3A_88 = arith.addi %parallel_loop3A_60, %parallel_loop3A_87 : vector<16xi32>
        tpu.vector_store_idx %arg8[%parallel_loop3A_88], %parallel_loop3A_85 {add = true} : memref<40448xf32, #tpu.memory_space<vmem>>[vector<16xi32>], vector<16xf32>,
      } {sc.loop_unroll_factor = 1 : i64, sc.parallel_access}
      %add3A_25 = arith.constant 1 : i32
      %add3A_26 = arith.addi %mul3A_9, %add3A_25 : i32
      %dma_wait3A = arith.constant 0 : i32
      %dma_wait3A_27 = tpu.memref_slice %arg3[%add3A_26, %dma_wait3A] : memref<64x5120xi32, #tpu.memory_space<hbm>> -> memref<1x5120xi32, #tpu.memory_space<hbm>>
      %dma_wait3A_28 = tpu.memref_squeeze %dma_wait3A_27 : memref<1x5120xi32, #tpu.memory_space<hbm>> -> memref<5120xi32, #tpu.memory_space<hbm>>
      %dma_wait3A_29 = arith.constant 0 : i32
      %dma_wait3A_30 = tpu.memref_slice %arg3[%add3A_26, %dma_wait3A_29] : memref<64x5120xi32, #tpu.memory_space<hbm>> -> memref<1x5120xi32, #tpu.memory_space<hbm>>
      %dma_wait3A_31 = tpu.memref_squeeze %dma_wait3A_30 : memref<1x5120xi32, #tpu.memory_space<hbm>> -> memref<5120xi32, #tpu.memory_space<hbm>>
      tpu.wait_dma2 semaphore(%arg15 : memref<!tpu.dma_semaphore, #tpu.memory_space<semaphore_mem>>) src(%dma_wait3A_31 : memref<5120xi32, #tpu.memory_space<hbm>>) dst(%arg10 : memref<5120xi32, #tpu.memory_space<vmem>>)
      %dma_wait3A_32 = arith.constant 0 : i32
      %dma_wait3A_33 = tpu.memref_slice %arg4[%add3A_26, %dma_wait3A_32] : memref<64x5120xi32, #tpu.memory_space<hbm>> -> memref<1x5120xi32, #tpu.memory_space<hbm>>
      %dma_wait3A_34 = tpu.memref_squeeze %dma_wait3A_33 : memref<1x5120xi32, #tpu.memory_space<hbm>> -> memref<5120xi32, #tpu.memory_space<hbm>>
      %dma_wait3A_35 = arith.constant 0 : i32
      %dma_wait3A_36 = tpu.memref_slice %arg4[%add3A_26, %dma_wait3A_35] : memref<64x5120xi32, #tpu.memory_space<hbm>> -> memref<1x5120xi32, #tpu.memory_space<hbm>>
      %dma_wait3A_37 = tpu.memref_squeeze %dma_wait3A_36 : memref<1x5120xi32, #tpu.memory_space<hbm>> -> memref<5120xi32, #tpu.memory_space<hbm>>
      tpu.wait_dma2 semaphore(%arg16 : memref<!tpu.dma_semaphore, #tpu.memory_space<semaphore_mem>>) src(%dma_wait3A_37 : memref<5120xi32, #tpu.memory_space<hbm>>) dst(%arg12 : memref<5120xi32, #tpu.memory_space<vmem>>)
      %lt3A = arith.constant 31 : i32
      %lt3A_38 = arith.cmpi slt, %scan3A_7, %lt3A : i32
      %convert_element_type3A = arith.extui %lt3A_38 : i1 to i32
      %cond3A = arith.constant 0 : i32
      %cond3A_39 = arith.cmpi ne, %convert_element_type3A, %cond3A : i32
      scf.if %cond3A_39 {
        %add3A_48 = arith.constant 2 : i32
        %add3A_49 = arith.addi %mul3A_9, %add3A_48 : i32
        %dma_start3A_50 = arith.constant 0 : i32
        %dma_start3A_51 = tpu.memref_slice %arg3[%add3A_49, %dma_start3A_50] : memref<64x5120xi32, #tpu.memory_space<hbm>> -> memref<1x5120xi32, #tpu.memory_space<hbm>>
        %dma_start3A_52 = tpu.memref_squeeze %dma_start3A_51 : memref<1x5120xi32, #tpu.memory_space<hbm>> -> memref<5120xi32, #tpu.memory_space<hbm>>
        %dma_start3A_53 = arith.constant 0 : i32
        %dma_start3A_54 = tpu.memref_slice %arg3[%add3A_49, %dma_start3A_53] : memref<64x5120xi32, #tpu.memory_space<hbm>> -> memref<1x5120xi32, #tpu.memory_space<hbm>>
        %dma_start3A_55 = tpu.memref_squeeze %dma_start3A_54 : memref<1x5120xi32, #tpu.memory_space<hbm>> -> memref<5120xi32, #tpu.memory_space<hbm>>
        tpu.enqueue_dma source(%dma_start3A_55 : memref<5120xi32, #tpu.memory_space<hbm>>) target(%arg9 : memref<5120xi32, #tpu.memory_space<vmem>>) target_semaphore(%arg13 : memref<!tpu.dma_semaphore, #tpu.memory_space<semaphore_mem>>)
        %dma_start3A_56 = arith.constant 0 : i32
        %dma_start3A_57 = tpu.memref_slice %arg4[%add3A_49, %dma_start3A_56] : memref<64x5120xi32, #tpu.memory_space<hbm>> -> memref<1x5120xi32, #tpu.memory_space<hbm>>
        %dma_start3A_58 = tpu.memref_squeeze %dma_start3A_57 : memref<1x5120xi32, #tpu.memory_space<hbm>> -> memref<5120xi32, #tpu.memory_space<hbm>>
        %dma_start3A_59 = arith.constant 0 : i32
        %dma_start3A_60 = tpu.memref_slice %arg4[%add3A_49, %dma_start3A_59] : memref<64x5120xi32, #tpu.memory_space<hbm>> -> memref<1x5120xi32, #tpu.memory_space<hbm>>
        %dma_start3A_61 = tpu.memref_squeeze %dma_start3A_60 : memref<1x5120xi32, #tpu.memory_space<hbm>> -> memref<5120xi32, #tpu.memory_space<hbm>>
        tpu.enqueue_dma source(%dma_start3A_61 : memref<5120xi32, #tpu.memory_space<hbm>>) target(%arg11 : memref<5120xi32, #tpu.memory_space<vmem>>) target_semaphore(%arg14 : memref<!tpu.dma_semaphore, #tpu.memory_space<semaphore_mem>>)
      } else {
      }
      %parallel_loop3A_40 = arith.constant 0 : i32
      %parallel_loop3A_41 = arith.constant 320 : i32
      %parallel_loop3A_42 = arith.constant 1 : i32
      scf.for %parallel_loop3A_48 = %parallel_loop3A_40 to %parallel_loop3A_41 step %parallel_loop3A_42  : i32 {
        %parallel_loop3A_49 = arith.constant 16 : i32
        %parallel_loop3A_50 = arith.muli %parallel_loop3A_48, %parallel_loop3A_49 : i32
        %parallel_loop3A_51 = arith.index_cast %parallel_loop3A_50 : i32 to index
        %parallel_loop3A_52 = tpu.vector_load %arg10[%parallel_loop3A_51] {strides = array<i32>} : memref<5120xi32, #tpu.memory_space<vmem>>, vector<16xi32>,
        %parallel_loop3A_53 = arith.index_cast %parallel_loop3A_50 : i32 to index
        %parallel_loop3A_54 = tpu.vector_load %arg12[%parallel_loop3A_53] {strides = array<i32>} : memref<5120xi32, #tpu.memory_space<vmem>>, vector<16xi32>,
        %parallel_loop3A_55 = arith.constant 2 : i32
        %parallel_loop3A_56 = vector.broadcast %parallel_loop3A_55 : i32 to vector<16xi32>
        %parallel_loop3A_57 = arith.shli %parallel_loop3A_52, %parallel_loop3A_56 : vector<16xi32>
        %parallel_loop3A_58 = arith.constant 2 : i32
        %parallel_loop3A_59 = vector.broadcast %parallel_loop3A_58 : i32 to vector<16xi32>
        %parallel_loop3A_60 = arith.shli %parallel_loop3A_54, %parallel_loop3A_59 : vector<16xi32>
        %parallel_loop3A_61 = arith.constant 0 : i32
        %parallel_loop3A_62 = vector.broadcast %parallel_loop3A_61 : i32 to vector<16xi32>
        %parallel_loop3A_63 = arith.addi %parallel_loop3A_57, %parallel_loop3A_62 : vector<16xi32>
        %parallel_loop3A_64 = tpu.vector_load_idx %arg7[%parallel_loop3A_63] : memref<40064xf32, #tpu.memory_space<vmem>>[vector<16xi32>], vector<16xf32>,
        %parallel_loop3A_65 = arith.constant 0 : i32
        %parallel_loop3A_66 = vector.broadcast %parallel_loop3A_65 : i32 to vector<16xi32>
        %parallel_loop3A_67 = arith.addi %parallel_loop3A_60, %parallel_loop3A_66 : vector<16xi32>
        tpu.vector_store_idx %arg8[%parallel_loop3A_67], %parallel_loop3A_64 {add = true} : memref<40448xf32, #tpu.memory_space<vmem>>[vector<16xi32>], vector<16xf32>,
        %parallel_loop3A_68 = arith.constant 1 : i32
        %parallel_loop3A_69 = vector.broadcast %parallel_loop3A_68 : i32 to vector<16xi32>
        %parallel_loop3A_70 = arith.addi %parallel_loop3A_57, %parallel_loop3A_69 : vector<16xi32>
        %parallel_loop3A_71 = tpu.vector_load_idx %arg7[%parallel_loop3A_70] : memref<40064xf32, #tpu.memory_space<vmem>>[vector<16xi32>], vector<16xf32>,
        %parallel_loop3A_72 = arith.constant 1 : i32
        %parallel_loop3A_73 = vector.broadcast %parallel_loop3A_72 : i32 to vector<16xi32>
        %parallel_loop3A_74 = arith.addi %parallel_loop3A_60, %parallel_loop3A_73 : vector<16xi32>
        tpu.vector_store_idx %arg8[%parallel_loop3A_74], %parallel_loop3A_71 {add = true} : memref<40448xf32, #tpu.memory_space<vmem>>[vector<16xi32>], vector<16xf32>,
        %parallel_loop3A_75 = arith.constant 2 : i32
        %parallel_loop3A_76 = vector.broadcast %parallel_loop3A_75 : i32 to vector<16xi32>
        %parallel_loop3A_77 = arith.addi %parallel_loop3A_57, %parallel_loop3A_76 : vector<16xi32>
        %parallel_loop3A_78 = tpu.vector_load_idx %arg7[%parallel_loop3A_77] : memref<40064xf32, #tpu.memory_space<vmem>>[vector<16xi32>], vector<16xf32>,
        %parallel_loop3A_79 = arith.constant 2 : i32
        %parallel_loop3A_80 = vector.broadcast %parallel_loop3A_79 : i32 to vector<16xi32>
        %parallel_loop3A_81 = arith.addi %parallel_loop3A_60, %parallel_loop3A_80 : vector<16xi32>
        tpu.vector_store_idx %arg8[%parallel_loop3A_81], %parallel_loop3A_78 {add = true} : memref<40448xf32, #tpu.memory_space<vmem>>[vector<16xi32>], vector<16xf32>,
        %parallel_loop3A_82 = arith.constant 3 : i32
        %parallel_loop3A_83 = vector.broadcast %parallel_loop3A_82 : i32 to vector<16xi32>
        %parallel_loop3A_84 = arith.addi %parallel_loop3A_57, %parallel_loop3A_83 : vector<16xi32>
        %parallel_loop3A_85 = tpu.vector_load_idx %arg7[%parallel_loop3A_84] : memref<40064xf32, #tpu.memory_space<vmem>>[vector<16xi32>], vector<16xf32>,
        %parallel_loop3A_86 = arith.constant 3 : i32
        %parallel_loop3A_87 = vector.broadcast %parallel_loop3A_86 : i32 to vector<16xi32>
        %parallel_loop3A_88 = arith.addi %parallel_loop3A_60, %parallel_loop3A_87 : vector<16xi32>
        tpu.vector_store_idx %arg8[%parallel_loop3A_88], %parallel_loop3A_85 {add = true} : memref<40448xf32, #tpu.memory_space<vmem>>[vector<16xi32>], vector<16xf32>,
      } {sc.loop_unroll_factor = 1 : i64, sc.parallel_access}
      %lt3A_43 = arith.constant 31 : i32
      %lt3A_44 = arith.cmpi slt, %scan3A_7, %lt3A_43 : i32
      %convert_element_type3A_45 = arith.extui %lt3A_44 : i1 to i32
      %cond3A_46 = arith.constant 0 : i32
      %cond3A_47 = arith.cmpi ne, %convert_element_type3A_45, %cond3A_46 : i32
      scf.if %cond3A_47 {
        %add3A_48 = arith.constant 2 : i32
        %add3A_49 = arith.addi %mul3A_9, %add3A_48 : i32
        %dma_wait3A_50 = arith.constant 0 : i32
        %dma_wait3A_51 = tpu.memref_slice %arg3[%add3A_49, %dma_wait3A_50] : memref<64x5120xi32, #tpu.memory_space<hbm>> -> memref<1x5120xi32, #tpu.memory_space<hbm>>
        %dma_wait3A_52 = tpu.memref_squeeze %dma_wait3A_51 : memref<1x5120xi32, #tpu.memory_space<hbm>> -> memref<5120xi32, #tpu.memory_space<hbm>>
        %dma_wait3A_53 = arith.constant 0 : i32
        %dma_wait3A_54 = tpu.memref_slice %arg3[%add3A_49, %dma_wait3A_53] : memref<64x5120xi32, #tpu.memory_space<hbm>> -> memref<1x5120xi32, #tpu.memory_space<hbm>>
        %dma_wait3A_55 = tpu.memref_squeeze %dma_wait3A_54 : memref<1x5120xi32, #tpu.memory_space<hbm>> -> memref<5120xi32, #tpu.memory_space<hbm>>
        tpu.wait_dma2 semaphore(%arg13 : memref<!tpu.dma_semaphore, #tpu.memory_space<semaphore_mem>>) src(%dma_wait3A_55 : memref<5120xi32, #tpu.memory_space<hbm>>) dst(%arg9 : memref<5120xi32, #tpu.memory_space<vmem>>)
        %dma_wait3A_56 = arith.constant 0 : i32
        %dma_wait3A_57 = tpu.memref_slice %arg4[%add3A_49, %dma_wait3A_56] : memref<64x5120xi32, #tpu.memory_space<hbm>> -> memref<1x5120xi32, #tpu.memory_space<hbm>>
        %dma_wait3A_58 = tpu.memref_squeeze %dma_wait3A_57 : memref<1x5120xi32, #tpu.memory_space<hbm>> -> memref<5120xi32, #tpu.memory_space<hbm>>
        %dma_wait3A_59 = arith.constant 0 : i32
        %dma_wait3A_60 = tpu.memref_slice %arg4[%add3A_49, %dma_wait3A_59] : memref<64x5120xi32, #tpu.memory_space<hbm>> -> memref<1x5120xi32, #tpu.memory_space<hbm>>
        %dma_wait3A_61 = tpu.memref_squeeze %dma_wait3A_60 : memref<1x5120xi32, #tpu.memory_space<hbm>> -> memref<5120xi32, #tpu.memory_space<hbm>>
        tpu.wait_dma2 semaphore(%arg14 : memref<!tpu.dma_semaphore, #tpu.memory_space<semaphore_mem>>) src(%dma_wait3A_61 : memref<5120xi32, #tpu.memory_space<hbm>>) dst(%arg11 : memref<5120xi32, #tpu.memory_space<vmem>>)
      } else {
      }
    }
    %scan3A_6 = arith.constant 32 : i32
    "tpu.region"() ({
      %run_scoped3A_7 = tpu.sem_alloc : memref<!tpu.dma_semaphore, #tpu.memory_space<semaphore_mem>>
      %dma_start3A = arith.constant 0 : i32
      %dma_start3A_8 = tpu.memref_slice %arg6[%add3A, %dma_start3A] : memref<32x40448xf32, #tpu.memory_space<hbm>> -> memref<1x40448xf32, #tpu.memory_space<hbm>>
      %dma_start3A_9 = tpu.memref_squeeze %dma_start3A_8 : memref<1x40448xf32, #tpu.memory_space<hbm>> -> memref<40448xf32, #tpu.memory_space<hbm>>
      %dma_start3A_10 = arith.constant 0 : i32
      %dma_start3A_11 = tpu.memref_slice %arg6[%add3A, %dma_start3A_10] : memref<32x40448xf32, #tpu.memory_space<hbm>> -> memref<1x40448xf32, #tpu.memory_space<hbm>>
      %dma_start3A_12 = tpu.memref_squeeze %dma_start3A_11 : memref<1x40448xf32, #tpu.memory_space<hbm>> -> memref<40448xf32, #tpu.memory_space<hbm>>
      tpu.enqueue_dma source(%arg8 : memref<40448xf32, #tpu.memory_space<vmem>>) target(%dma_start3A_12 : memref<40448xf32, #tpu.memory_space<hbm>>) target_semaphore(%run_scoped3A_7 : memref<!tpu.dma_semaphore, #tpu.memory_space<semaphore_mem>>)
      %dma_wait3A = arith.constant 0 : i32
      %dma_wait3A_13 = tpu.memref_slice %arg6[%add3A, %dma_wait3A] : memref<32x40448xf32, #tpu.memory_space<hbm>> -> memref<1x40448xf32, #tpu.memory_space<hbm>>
      %dma_wait3A_14 = tpu.memref_squeeze %dma_wait3A_13 : memref<1x40448xf32, #tpu.memory_space<hbm>> -> memref<40448xf32, #tpu.memory_space<hbm>>
      %dma_wait3A_15 = arith.constant 0 : i32
      %dma_wait3A_16 = tpu.memref_slice %arg6[%add3A, %dma_wait3A_15] : memref<32x40448xf32, #tpu.memory_space<hbm>> -> memref<1x40448xf32, #tpu.memory_space<hbm>>
      %dma_wait3A_17 = tpu.memref_squeeze %dma_wait3A_16 : memref<1x40448xf32, #tpu.memory_space<hbm>> -> memref<40448xf32, #tpu.memory_space<hbm>>
      tpu.wait_dma2 semaphore(%run_scoped3A_7 : memref<!tpu.dma_semaphore, #tpu.memory_space<semaphore_mem>>) src(%arg8 : memref<40448xf32, #tpu.memory_space<vmem>>) dst(%dma_wait3A_17 : memref<40448xf32, #tpu.memory_space<hbm>>)
      tpu.yield
    }) : () -> ()
    return
  }
}

</mosaic_0001>

<sc_bundles>
// kernel: _sc_agg.3.cloned.1.call-start
scs
__scs_entry_jumppad:
0x0: {  	(pc) =	sbr.rel $0x88, $3  }
0x1: {  	(tag) =	ssettag $0x0;
	lr =	simm.s32 $0x1  }
0x2: {  	[smem:$0x3F9D] =	sst lr;
	_ =	strace $0xD0000000  }
0x3: {  	_ = 	snop  }
0x4: {  	_ = 	snop  }
0x5: {  	_ = 	snop  }
0x6: {  	_ = 	snop  }
0x7: {  	_ = 	snop  }
__scs_overlays_trampoline_lowered:
0x8: {  	[smem:$0x3FAC] =	sst s0  }
0x9: {  	[smem:$0x3FAD] =	sst s1  }
0xa: {  	[smem:$0x3FAE] =	sst s2  }
0xb: {  	[smem:$0x3FAF] =	sst s3  }
0xc: {  	[smem:$0x3FB0] =	sst s4  }
0xd: {  	[smem:$0x3FB1] =	sst s5  }
0xe: {  	[smem:$0x3FB2] =	sst s6  }
0xf: {  	[smem:$0x3FB3] =	sst s7  }
0x10: {  	[smem:$0x3FB4] =	sst s8  }
0x11: {  	[smem:$0x3FB5] =	sst s9;
	s0 =	simm.s32 @!p0 $0x0  }
0x12: {  	s1 =	sld [smem:$0x3F9B];
	s0 =	simm.s32 @p0 $0x1  }
0x13: {  	[smem:$0x3FB6] =	sst s0;
	s0 =	simm.s32 @!p1 $0x0  }
0x14: {  	s2 =	sld [smem:$0x3F9A];
	s0 =	simm.s32 @p1 $0x1  }
0x15: {  	[smem:$0x3FB7] =	sst s0;
	s0 =	simm.s32 @!p2 $0x0  }
0x16: {  	s3 =	sld [smem:$0x3FDB];
	s0 =	simm.s32 @p2 $0x1  }
0x17: {  	s4 =	simm.s32 $0x1BF5;
	[smem:$0x3FB9] =	sst s0  }
0x18: {  	s0 =	sld [smem:$0x3F9C];
	_ =	swait.ge [sflag:s4], $0x0  }
0x19: {  	s7 =	sld [smem:$0x3F9D]  }
0x1a: {  	s8 =	sadd.s32 $0xFFFFE003, lr  }
0x1b: {  	s9 =	sadd.s32 $0xFFFFFEF7, lr;
	s5 =	simm.s32 $0xFFFFFFFF;
	p2 =	slt.u32 s8, $0xFFFFF086  }
0x1c: {  	p1 =	slt.u32 s9, $0xF7A;
	s5 =	simm.s32 @!p2 $0x0  }
0x1d: {  	s5 =	simm.s32 @p1 $0x1;
	p0 =	seq.s32 s7, s2  }
0x1e: {  	s7 =	smul.u32 @!p0 $0xF7A, s2;
	p2 =	seq.s32 @!p0 s5, $0x0  }
0x1f: {  	s9 =	smul.u32 $0xF7A, s1;
	s8 =	simm.s32 @!p0 $0x1BF5;
	p2 =	por !p2, p0  }
0x20: {  	[sflag:s8] =	ssyncset.s32 @!p0 $0xFFFFF086;
	s6 =	sadd.s32 @!p0 s3, s7;
	s7 =	simm.s32 @!p0 $0x108  }
0x21: {  	s3 =	sadd.s32 s3, s9;
	s6 =	sadd.s32 @!p0 $0x88, s6;
	s7 =	simm.s32 @p2 $0x1082  }
0x22: {  	[simem:s7], [sflag:s8] =	dma.local @!p0 [hbm:s6], $0xF7A  }
0x23: {  	s9 =	sor.u32 $0xD0000000, s2;
	s6 =	simm.s32 $0x108;
	_ =	swait.ge @!p0 [sflag:s8], $0x0  }
0x24: {  	s3 =	sadd.s32 $0x88, s3;
	s6 =	simm.s32 @!p1 $0x1082;
	[sflag:s4] =	ssyncset.s32 $0xFFFFF086  }
0x25: {  	[simem:s6], [sflag:s4] =	dma.local [hbm:s3], $0xF7A  }
0x26: {  	[smem:$0x3F9D] =	sst s1;
	(tag) =	ssettag s2;
	_ =	strace s9  }
0x27: {  	s1 =	sld [smem:$0x3FAD]  }
0x28: {  	s2 =	sld [smem:$0x3FAE]  }
0x29: {  	s4 =	sld [smem:$0x3FB0]  }
0x2a: {  	p0 =	seq.s32 s5, $0x0;
	s5 =	sld [smem:$0x3FB1]  }
0x2b: {  	s6 =	sld [smem:$0x3FB2]  }
0x2c: {  	s7 =	sld [smem:$0x3FB3]  }
0x2d: {  	s3 =	simm.s32 $0x108;
	s8 =	sld [smem:$0x3FB4]  }
0x2e: {  	s3 =	simm.s32 @!p0 $0x1082;
	s9 =	sld [smem:$0x3FB5]  }
0x2f: {  	lr =	sadd.s32 s0, s3;
	s0 =	sld [smem:$0x3FAC]  }
0x30: {  	s3 =	sld [smem:$0x3FAF]  }
0x31: {  	[smem:$0x3FB8] =	sst s10  }
0x32: {  	s10 =	sld [smem:$0x3FB6];
	_ =	sdelay $0x3  }
0x33: {  	p0 =	seq.s32 s10, $0x1;
	s10 =	sld [smem:$0x3FB8];
	_ =	sdelay $0x3  }
0x34: {  	[smem:$0x3FB8] =	sst s10  }
0x35: {  	s10 =	sld [smem:$0x3FB7];
	_ =	sdelay $0x3  }
0x36: {  	p1 =	seq.s32 s10, $0x1;
	s10 =	sld [smem:$0x3FB8];
	_ =	sdelay $0x3  }
0x37: {  	[smem:$0x3FB8] =	sst s10  }
0x38: {  	s10 =	sld [smem:$0x3FB9]  }
0x39: {  	_ = 	snop;
	(pc) =	sbr.ind lr, $3  }
0x3a: {  	_ = 	snop  }
0x3b: {  	_ = 	snop  }
0x3c: {  	p2 =	seq.s32 s10, $0x1;
	s10 =	sld [smem:$0x3FB8]  }
0x3d: {  	_ =	shalt  }
0x3e: {  	_ =	shalt  }
0x3f: {  	_ =	shalt  }
0x40: {  	_ =	shalt  }
0x41: {  	_ =	shalt  }
0x42: {  	_ =	shalt  }
0x43: {  	_ =	shalt  }
0x44: {  	_ =	shalt  }
0x45: {  	_ =	shalt  }
0x46: {  	_ =	shalt  }
0x47: {  	_ =	shalt  }
0x48: {  	_ =	shalt  }
0x49: {  	_ =	shalt  }
0x4a: {  	_ =	shalt  }
0x4b: {  	_ =	shalt  }
0x4c: {  	_ =	shalt  }
0x4d: {  	_ =	shalt  }
0x4e: {  	_ =	shalt  }
0x4f: {  	_ =	shalt  }
0x50: {  	_ =	shalt  }
0x51: {  	_ =	shalt  }
0x52: {  	_ =	shalt  }
0x53: {  	_ =	shalt  }
0x54: {  	_ =	shalt  }
0x55: {  	_ =	shalt  }
0x56: {  	_ =	shalt  }
0x57: {  	_ =	shalt  }
0x58: {  	_ =	shalt  }
0x59: {  	_ =	shalt  }
0x5a: {  	_ =	shalt  }
0x5b: {  	_ =	shalt  }
0x5c: {  	_ =	shalt  }
0x5d: {  	_ =	shalt  }
0x5e: {  	_ =	shalt  }
0x5f: {  	_ =	shalt  }
0x60: {  	_ =	shalt  }
0x61: {  	_ =	shalt  }
0x62: {  	_ =	shalt  }
0x63: {  	_ =	shalt  }
0x64: {  	_ =	shalt  }
0x65: {  	_ =	shalt  }
0x66: {  	_ =	shalt  }
0x67: {  	_ =	shalt  }
0x68: {  	_ =	shalt  }
0x69: {  	_ =	shalt  }
0x6a: {  	_ =	shalt  }
0x6b: {  	_ =	shalt  }
0x6c: {  	_ =	shalt  }
0x6d: {  	_ =	shalt  }
0x6e: {  	_ =	shalt  }
0x6f: {  	_ =	shalt  }
0x70: {  	_ =	shalt  }
0x71: {  	_ =	shalt  }
0x72: {  	_ =	shalt  }
0x73: {  	_ =	shalt  }
0x74: {  	_ =	shalt  }
0x75: {  	_ =	shalt  }
0x76: {  	_ =	shalt  }
0x77: {  	_ =	shalt  }
0x78: {  	_ =	shalt  }
0x79: {  	_ =	shalt  }
0x7a: {  	_ =	shalt  }
0x7b: {  	_ =	shalt  }
0x7c: {  	_ =	shalt  }
0x7d: {  	_ =	shalt  }
0x7e: {  	_ =	shalt  }
0x7f: {  	_ =	shalt  }
0x80: {  	_ =	shalt  }
0x81: {  	_ =	shalt  }
0x82: {  	_ =	shalt  }
0x83: {  	_ =	shalt  }
0x84: {  	_ =	shalt  }
0x85: {  	_ =	shalt  }
0x86: {  	_ =	shalt  }
0x87: {  	_ =	shalt  }
.Lfunc_end0:
.L_simem_size_0:
called_computation_lowered:
.L_overlay_start_0:
0x88: {  	s2 =	sld [smem:$0x3FD9]  }
0x89: {  	s3 =	sld [smem:$0x3FFE];
	_ =	sdelay $0x1  }
0x8a: {  	s1 =	srdreg.scid  }
0x8b: {  	s0 =	sand.u32 $0x1, s1  }
0x8c: {  	s18 =	sshll.u32 s0, $0xA;
	s2 =	sadd.s32 s3, s2  }
0x8d: {  	s2 =	sadd.s32 s2, s18  }
0x8e: {  	[smem:$0x3FC4] =	sst s2  }
0x8f: {  	_ = 	snop  }
0x90: {  	s2 =	sld [smem:$0x3FC9]  }
0x91: {  	s19 =	sld [smem:$0x3FC8]  }
0x92: {  	s4 =	sld [smem:$0x3FC7]  }
0x93: {  	s5 =	sld [smem:$0x3FC6]  }
0x94: {  	s6 =	sld [smem:$0x3FD0];
	(tm) =	ssettm $0x1  }
0x95: {  	s7 =	sld [smem:$0x3FFB];
	_ =	sdelay $0x3  }
0x96: {  	_ =	strace s7  }
0x97: {  	s7 =	sld [smem:$0x3FFC];
	_ =	sdelay $0x3  }
0x98: {  	_ =	strace s7  }
0x99: {  	s7 =	sld [smem:$0x3FFD];
	_ =	sdelay $0x3  }
0x9a: {  	_ =	strace s7  }
0x9b: {  	_ =	strace $0x8FFFFFFF  }
0x9c: {  	s20 =	sld [smem:$0x3FDB];
	_ =	sdelay $0x1  }
0x9d: {  	s8 =	simm.s32 $_scs_section_size  }
0x9e: {  	s9 =	simm.s32 $_size__tile_overlayer_lowered;
	s10 =	simm.s32 $_tile_overlayer_lowered  }
0x9f: {  	s23 =	simm.s32 $0x1BFF;
	s22 =	sshll.u32 s10, $0x1;
	s7 =	sadd.s32 s8, s20  }
0xa0: {  	s11 =	simm.s32 $0x0;
	s21 =	sshll.u32 s9, $0x1;
	s9 =	sadd.s32 s22, s7  }
0xa1: {  	[timem:s11], [sflag:s23] =	dma.local [hbm:s9], s21  }
0xa2: {  	_ =	swait.ge [sflag:s23], s21  }
0xa3: {  	s8 =	ssub.s32 $0x0, s21;
	[sflag:s23] =	ssyncset.done $0x0  }
0xa4: {  	[sflag:s23] =	ssyncadd.s32 s8;
	_ =	sdelay $0x1  }
0xa5: {  	s24 =	simm.s32 $0x1B8B  }
0xa6: {  	_ =	swait.ge [sflag:s24], $0x1  }
0xa7: {  	[sflag:s24] =	ssyncset.done $0x0  }
0xa8: {  	s25 =	simm.s32 $0x1B8E;
	[sflag:s24] =	ssyncadd.s32 $0xFFFFFFFF  }
0xa9: {  	s26 =	simm.s32 $execute0_lowered;
	[smem:$0x3FD2] =	sst s25  }
0xaa: {  	s8 =	sshll.u32 s26, $0x1;
	_ =	strace $0x80000046;
	[dreg:$0x1] =	wrdreg $0xFFFFFFFF  }
0xab: {  	s28 =	simm.s32 $_size_execute0_lowered;
	s7 =	sadd.s32 s7, s8;
	[dreg:$0x0] =	wrdreg $0x0  }
0xac: {  	s8 =	sshll.u32 s28, $0x1;
	[dreg:$0x2] =	wrdreg s7  }
0xad: {  	[dreg:$0x3] =	wrdreg s8  }
0xae: {  	[dreg:$0x4] =	wrdreg $0xC0  }
0xaf: {  	_ =	task [dreg:s11], $0x5FFFF  }
0xb0: {  	[dreg:$0x1] =	wrdreg $0xFFFFFFFF  }
0xb1: {  	[dreg:$0x0] =	wrdreg $0x60  }
0xb2: {  	[dreg:$0x2] =	wrdreg s2  }
0xb3: {  	[dreg:$0x3] =	wrdreg s19  }
0xb4: {  	[dreg:$0x4] =	wrdreg s4  }
0xb5: {  	[dreg:$0x5] =	wrdreg s5  }
0xb6: {  	[dreg:$0x6] =	wrdreg s6  }
0xb7: {  	[dreg:$0x7] =	wrdreg $0x9  }
0xb8: {  	_ =	task.clear_ibuf [dreg:s11], $0x8FFFF;
	_ =	strace $0x90000046  }
0xb9: {  	s29 =	simm.s32 $0x9;
	_ =	strace $0x80000048  }
0xba: {  	_ =	swait.ge [sflag:s29], $0x1  }
0xbb: {  	[sflag:s29] =	ssyncadd.s32 $0xFFFFFFFF  }
0xbc: {  	_ =	strace $0x90000048  }
0xbd: {  	_ =	sfence  }
0xbe: {  	s30 =	sld [smem:$0x0];
	_ =	sdelay $0x2  }
0xbf: {  	s31 =	sshll.u32 s1, $0xD;
	s1 =	sshrl.u32 s1, $0x2  }
0xc0: {  	s3 =	sand.u32 $0x4000, s31;
	s1 =	sadd.s32 s1, s30  }
0xc1: {  	s0 =	sor.u32 s3, s0;
	s1 =	sshll.u32 s1, $0x11  }
0xc2: {  	s0 =	sor.u32 s1, s0  }
0xc3: {  	s0 =	sadd.s32 $0x8F2B, s0  }
0xc4: {  	[sflag:s0] =	ssyncadd.remote.s32 $0x1  }
0xc5: {  	_ =	sfence.sel $0xFFFF  }
0xc6: {  	[dreg:$0x0] =	wrdreg $0xFFFFFFFF;
	(pc) =	sbr.abs _section_cstart, $3  }
0xc7: {  	[dreg:$0x1] =	wrdreg $0xFFFFFFFF  }
0xc8: {  	_ =	task.clear_ibuf [dreg:s11], $0x2FFFF;
	_ =	strace $0x9FFFFFFF  }
0xc9: {  	(tm) =	ssettm $0x7FFFFFFF  }
tec
execute0_lowered:
.L_overlay_start_1:
0x0: {  	(tag) =	ssettag $0x1  }
0x1: {  	s6 =	rddreg [dreg:$0x0]  }
0x2: {  	s0 =	rddreg [dreg:$0x1]  }
0x3: {  	s2 =	rddreg [dreg:$0x2]  }
0x4: {  	s4 =	rddreg [dreg:$0x3]  }
0x5: {  	s1 =	srdreg.scid;
	s8 =	rddreg [dreg:$0x4];
	s13 =	simm.s32 $0x13A80  }
0x6: {  	s14 =	simm.s32 $0x16280;
	s15 =	simm.s32 $0x14E80;
	s16 =	simm.s32 $0x17680  }
0x7: {  	s17 =	simm.s32 $0x3;
	s18 =	simm.s32 $0x4;
	s7 =	sand.u32 $0x1, s1  }
0x8: {  	s19 =	simm.s32 $0x1;
	s1 =	stileid.u32;
	s3 =	sshll.u32 s7, $0x4  }
0x9: {  	s20 =	simm.s32 $0x2;
	s21 =	simm.s32 $0x0;
	s5 =	sor.u32 s1, s3  }
0xa: {  	s10 =	sshll.u32 s1, $0x7;
	s7 =	ssub.s32 $0x2, s7;
	s9 =	sshrl.u32 s5, $0x3  }
0xb: {  	s3 =	rddreg [dreg:$0x5];
	s10 =	sand.u32 $0x380, s10;
	s11 =	smul.u32 $0x4E400, s9  }
0xc: {  	s12 =	sshrl.u32 s7, $0x1;
	s5 =	simm.s32 $0x0;
	s9 =	smul.u32 $0x4F000, s9  }
.Ltmp0:
0xd: {  	s30 =	ssub.s32 s7, s12;
	[smem:$0x7FF] =	sst s5;
	(pc) =	sbr.rel .LBB2_1-.Ltmp0, $4  }
0xe: {  	s12 =	simm.s32 $0x9C80;
	_ =	strace $0x80000047;
	s11 =	sor.u32 s10, s11  }
0xf: {  	s9 =	sor.u32 s10, s9;
	s10 =	simm.s32 $0x400;
	s11 =	sshrl.u32 s11, $0x3  }
0x10: {  	s31 =	sshrl.u32 s9, $0x3;
	s9 =	simm.s32 $0x80;
	s6 =	sadd.s32 s6, s11  }
0x11: {  	s7 =	sadd.s32 s8, s31;
	s8 =	smax.u32 s30, $0x1;
	s11 =	simm.s32 $0x5  }
.LBB2_8:
0x12: {  	s21 =	sadd.s32 $0x1, s21  }
0x13: {  	p0 =	sne.s32 s21, s8  }
.Ltmp1:
0x14: {  	_ = 	snop;
	(pc) =	sbr.rel @!p0 .LBB2_9-.Ltmp1, $4  }
0x15: {  	[hbm4b:s7+s9] =	stream.strided.scatter [tilespmem:s12], [sflag:$0x5], $0x9E00, s10, s9, $0x38;
	[tilespmem:$0x18A80] =	vst v63  }
0x16: {  	_ =	swait.ge [sflag:s11], $0x9E00  }
0x17: {  	[sflag:s11] =	ssyncset.done $0x0  }
0x18: {  	[sflag:s11] =	ssyncadd.s32 $0xFFFF6200  }
.LBB2_1:
0x19: {  	[tilespmem:s5], [sflag:$0x5] =	stream.strided.gather [hbm4b:s6+s9], $0x9C80, s10, s9, $0x38;
	[tilespmem:$0x18A80] =	vst v63  }
0x1a: {  	_ =	swait.ge [sflag:s11], $0x9C80  }
0x1b: {  	[sflag:s11] =	ssyncset.done $0x0  }
0x1c: {  	[sflag:s11] =	ssyncadd.s32 $0xFFFF6380  }
0x1d: {  	[tilespmem:s12], [sflag:$0x5] =	stream.linear.gather [hbm4b:s4+s5], $0x9E00, $0x38;
	[tilespmem:$0x18A80] =	vst v63  }
0x1e: {  	_ =	swait.ge [sflag:s11], $0x9E00  }
0x1f: {  	[sflag:s11] =	ssyncset.done $0x0  }
0x20: {  	[sflag:s11] =	ssyncadd.s32 $0xFFFF6200  }
0x21: {  	[tilespmem:s13], [sflag:$0x5] =	stream.strided.gather [hbm4b:s0+s9], $0x1400, s10, s9, $0x38;
	[tilespmem:$0x18A80] =	vst v63  }
0x22: {  	_ =	swait.ge [sflag:s11], $0x1400  }
0x23: {  	[sflag:s11] =	ssyncset.done $0x0  }
0x24: {  	[sflag:s11] =	ssyncadd.s32 $0xFFFFEC00  }
0x25: {  	[tilespmem:s14], [sflag:$0x5] =	stream.strided.gather [hbm4b:s2+s9], $0x1400, s10, s9, $0x38;
	[tilespmem:$0x18A80] =	vst v63  }
0x26: {  	_ =	swait.ge [sflag:s11], $0x1400  }
0x27: {  	[sflag:s11] =	ssyncset.done $0x0  }
0x28: {  	s22 =	simm.s32 $0x0;
	[sflag:s11] =	ssyncadd.s32 $0xFFFFEC00  }
.LBB2_2:
0x29: {  	s23 =	sshrl.u32 s22, $0x2  }
0x2a: {  	s24 =	sshll.u32 s22, $0x8;
	s23 =	smul.u32 $0xA000, s23  }
0x2b: {  	s24 =	sand.u32 $0x300, s24  }
0x2c: {  	s23 =	sor.u32 s23, s24  }
0x2d: {  	s23 =	sshrl.u32 s23, $0x3  }
0x2e: {  	s23 =	sor.u32 $0x10, s23  }
0x2f: {  	s28 =	sadd.s32 s0, s23  }
0x30: {  	[tilespmem:s15], [sflag:$0x3] =	stream.strided.gather [hbm4b:s28+s9], $0x1400, s10, s9, $0x38;
	[tilespmem:$0x18A80] =	vst v63  }
0x31: {  	s29 =	simm.s32 $0x0;
	s23 =	sadd.s32 s2, s23  }
0x32: {  	[tilespmem:s16], [sflag:$0x4] =	stream.strided.gather [hbm4b:s23+s9], $0x1400, s10, s9, $0x38;
	[tilespmem:$0x18A80] =	vst v63  }
0x33: {  	v0 =	vld [tilespmem:s29+$0x13A80];
	_ =	sdelay $0x4  }
0x34: {  	v1 =	vld [tilespmem:s29+$0x16280];
	v4 =	vshll.u32 v0, $0x2;
	_ =	sdelay $0x1  }
0x35: {  	s30 =	simm.s32 $0x10  }
0x36: {  	v2 =	vld [tilespmem:s30+$0x13A80];
	_ =	sdelay $0x1  }
0x37: {  	v0 =	vshll.u32 v1, $0x2;
	v3 =	vld.idx.msk [tilespmem:v4+s5+$0x0], $0xffff  }
0x38: {  	v1 =	vor.u32 $0x1, v4;
	_ =	sdelay $0x1  }
0x39: {  	s31 =	simm.s32 $0x20;
	v5 =	vld [tilespmem:s30+$0x16280];
	v2 =	vshll.u32 v2, $0x2  }
0x3a: {  	v7 =	vld [tilespmem:s31+$0x13A80]  }
0x3b: {  	[tilespmem:v0+s12+$0x0] =	vst.idx.add.f32.msk $0xffff, v3  }
0x3c: {  	v8 =	vor.u32 $0x1, v0;
	v3 =	vld.idx.msk [tilespmem:v1+s5+$0x0], $0xffff  }
0x3d: {  	v9 =	vor.u32 $0x2, v4  }
0x3e: {  	v10 =	vld.idx.msk [tilespmem:v2+s5+$0x0], $0xffff;
	v1 =	vshll.u32 v5, $0x2  }
0x3f: {  	v11 =	vor.u32 $0x1, v2  }
0x40: {  	v6 =	vld [tilespmem:s31+$0x16280]  }
0x41: {  	[tilespmem:v8+s12+$0x0] =	vst.idx.add.f32.msk $0xffff, v3;
	v3 =	vshll.u32 v7, $0x2  }
0x42: {  	v7 =	vor.u32 $0x2, v0;
	v5 =	vld.idx.msk [tilespmem:v9+s5+$0x0], $0xffff  }
0x43: {  	v4 =	vor.u32 $0x3, v4;
	[tilespmem:v1+s12+$0x0] =	vst.idx.add.f32.msk $0xffff, v10  }
0x44: {  	s24 =	simm.s32 $0x30;
	v8 =	vld.idx.msk [tilespmem:v11+s5+$0x0], $0xffff  }
0x45: {  	v10 =	vor.u32 $0x1, v1;
	v11 =	vld [tilespmem:s24+$0x13A80]  }
0x46: {  	s23 =	simm.s32 $0x100;
	v12 =	vor.u32 $0x2, v2;
	v9 =	vld.idx.msk [tilespmem:v3+s5+$0x0], $0xffff  }
.LBB2_3:
0x47: {  	p0 =	sne.s32 s23, $0x4FC0;
	v13 =	vshll.u32 v6, $0x2;
	[tilespmem:v7+s12+$0x0] =	vst.idx.add.f32.msk $0xffff, v5  }
0x48: {  	v14 =	vor.u32 $0x1, v3;
	v15 =	vld.idx.msk [tilespmem:v4+s5+$0x0], $0xffff  }
0x49: {  	v16 =	vor.u32 $0x3, v0;
	v0 =	vmov v1;
	v1 =	vmov v13;
	v6 =	vld [tilespmem:s24+$0x16280]  }
0x4a: {  	[tilespmem:v10+s12+$0x0] =	vst.idx.add.f32.msk $0xffff, v8  }
0x4b: {  	v17 =	vshll.u32 v11, $0x2;
	v5 =	vld.idx.msk [tilespmem:v12+s5+$0x0], $0xffff  }
.Ltmp2:
0x4c: {  	v7 =	vor.u32 $0x2, v0;
	[tilespmem:v13+s12+$0x0] =	vst.idx.add.f32.msk $0xffff, v9;
	(pc) =	sbr.rel @p0 .LBB2_3-.Ltmp2, $4  }
0x4d: {  	v4 =	vor.u32 $0x3, v2;
	v2 =	vmov v3;
	v3 =	vmov v17;
	v8 =	vld.idx.msk [tilespmem:v14+s5+$0x0], $0xffff  }
0x4e: {  	s24 =	sshra.s32 s23, $0x2;
	[tilespmem:v16+s12+$0x0] =	vst.idx.add.f32.msk $0xffff, v15  }
0x4f: {  	v10 =	vor.u32 $0x1, v1;
	v11 =	vld [tilespmem:s24+$0x13A80]  }
0x50: {  	s23 =	sadd.s32 $0x40, s23;
	v12 =	vor.u32 $0x2, v2;
	v9 =	vld.idx.msk [tilespmem:v17+s5+$0x0], $0xffff  }
0x51: {  	_ =	sdelay $0x2  }
0x52: {  	v13 =	vld [tilespmem:s24+$0x16280];
	v11 =	vshll.u32 v11, $0x2;
	_ =	sdelay $0x2  }
0x53: {  	v6 =	vshll.u32 v6, $0x2  }
0x54: {  	v14 =	vor.u32 $0x1, v3  }
0x55: {  	v13 =	vshll.u32 v13, $0x2;
	v15 =	vld.idx.msk [tilespmem:v11+s5+$0x0], $0xffff  }
0x56: {  	[tilespmem:v10+s12+$0x0] =	vst.idx.add.f32.msk $0xffff, v8;
	v8 =	vor.u32 $0x1, v11  }
0x57: {  	v10 =	vld.idx.msk [tilespmem:v12+s5+$0x0], $0xffff  }
0x58: {  	[tilespmem:v6+s12+$0x0] =	vst.idx.add.f32.msk $0xffff, v9;
	v9 =	vor.u32 $0x2, v1  }
0x59: {  	v12 =	vld.idx.msk [tilespmem:v14+s5+$0x0], $0xffff;
	v14 =	vor.u32 $0x1, v6  }
0x5a: {  	v16 =	vor.u32 $0x2, v3;
	[tilespmem:v13+s12+$0x0] =	vst.idx.add.f32.msk $0xffff, v15  }
0x5b: {  	v15 =	vor.u32 $0x1, v13;
	v8 =	vld.idx.msk [tilespmem:v8+s5+$0x0], $0xffff  }
0x5c: {  	[tilespmem:v7+s12+$0x0] =	vst.idx.add.f32.msk $0xffff, v5;
	v5 =	vor.u32 $0x2, v11  }
0x5d: {  	[tilespmem:v9+s12+$0x0] =	vst.idx.add.f32.msk $0xffff, v10  }
0x5e: {  	v2 =	vor.u32 $0x3, v2;
	[tilespmem:v14+s12+$0x0] =	vst.idx.add.f32.msk $0xffff, v12  }
0x5f: {  	v9 =	vor.u32 $0x2, v6;
	v7 =	vld.idx.msk [tilespmem:v16+s5+$0x0], $0xffff  }
0x60: {  	v3 =	vor.u32 $0x3, v3;
	[tilespmem:v15+s12+$0x0] =	vst.idx.add.f32.msk $0xffff, v8  }
0x61: {  	v8 =	vor.u32 $0x2, v13;
	v5 =	vld.idx.msk [tilespmem:v5+s5+$0x0], $0xffff  }
0x62: {  	v4 =	vld.idx.msk [tilespmem:v4+s5+$0x0], $0xffff;
	v10 =	vor.u32 $0x3, v11  }
0x63: {  	v2 =	vld.idx.msk [tilespmem:v2+s5+$0x0], $0xffff  }
0x64: {  	v0 =	vor.u32 $0x3, v0;
	[tilespmem:v9+s12+$0x0] =	vst.idx.add.f32.msk $0xffff, v7  }
0x65: {  	v1 =	vor.u32 $0x3, v1;
	v3 =	vld.idx.msk [tilespmem:v3+s5+$0x0], $0xffff  }
0x66: {  	v6 =	vor.u32 $0x3, v6;
	[tilespmem:v8+s12+$0x0] =	vst.idx.add.f32.msk $0xffff, v5  }
0x67: {  	v7 =	vor.u32 $0x3, v13;
	v5 =	vld.idx.msk [tilespmem:v10+s5+$0x0], $0xffff;
	_ =	sdelay $0x1  }
0x68: {  	[tilespmem:v0+s12+$0x0] =	vst.idx.add.f32.msk $0xffff, v4  }
0x69: {  	p0 =	seq.s32 s22, $0x1F;
	[tilespmem:v1+s12+$0x0] =	vst.idx.add.f32.msk $0xffff, v2  }
0x6a: {  	s23 =	sshll.u32 @!p0 s22, $0x1;
	[tilespmem:v6+s12+$0x0] =	vst.idx.add.f32.msk $0xffff, v3  }
0x6b: {  	s23 =	sadd.s32 @!p0 $0x2, s23;
	[tilespmem:v7+s12+$0x0] =	vst.idx.add.f32.msk $0xffff, v5  }
0x6c: {  	s24 =	sshrl.u32 @!p0 s23, $0x3;
	_ =	swait.ge [sflag:s17], $0x1400  }
0x6d: {  	s23 =	sshll.u32 @!p0 s23, $0x7;
	s24 =	smul.u32 @!p0 $0xA000, s24;
	[sflag:s17] =	ssyncset.done $0x0  }
0x6e: {  	s23 =	sand.u32 @!p0 $0x300, s23;
	[sflag:s17] =	ssyncadd.s32 $0xFFFFEC00  }
0x6f: {  	s25 =	simm.s32 @!p0 $0x80;
	s23 =	sor.u32 @!p0 s23, s24;
	_ =	swait.ge [sflag:s18], $0x1400  }
0x70: {  	s26 =	simm.s32 @!p0 $0x400;
	s23 =	sshrl.u32 @!p0 s23, $0x3;
	[sflag:s18] =	ssyncset.done $0x0  }
0x71: {  	s28 =	simm.s32 @!p0 $0x13A80;
	s24 =	sadd.s32 @!p0 s0, s23;
	[sflag:s18] =	ssyncadd.s32 $0xFFFFEC00  }
0x72: {  	[tilespmem:s28], [sflag:$0x1] =	stream.strided.gather @!p0 [hbm4b:s24+s25], $0x1400, s26, s25, $0x38;
	[tilespmem:$0x18A80] =	vst v63  }
0x73: {  	s29 =	simm.s32 $0x0;
	s23 =	sadd.s32 @!p0 s2, s23;
	s24 =	simm.s32 @!p0 $0x16280  }
0x74: {  	[tilespmem:s24], [sflag:$0x2] =	stream.strided.gather @!p0 [hbm4b:s23+s25], $0x1400, s26, s25, $0x38;
	[tilespmem:$0x18A80] =	vst v63  }
0x75: {  	v0 =	vld [tilespmem:s29+$0x14E80];
	_ =	sdelay $0x4  }
0x76: {  	v1 =	vld [tilespmem:s29+$0x17680];
	v4 =	vshll.u32 v0, $0x2;
	_ =	sdelay $0x1  }
0x77: {  	s30 =	simm.s32 $0x10  }
0x78: {  	v2 =	vld [tilespmem:s30+$0x14E80];
	_ =	sdelay $0x1  }
0x79: {  	v0 =	vshll.u32 v1, $0x2;
	v3 =	vld.idx.msk [tilespmem:v4+s5+$0x0], $0xffff  }
0x7a: {  	v1 =	vor.u32 $0x1, v4;
	_ =	sdelay $0x1  }
0x7b: {  	s31 =	simm.s32 $0x20;
	v5 =	vld [tilespmem:s30+$0x17680];
	v2 =	vshll.u32 v2, $0x2  }
0x7c: {  	v7 =	vld [tilespmem:s31+$0x14E80]  }
0x7d: {  	[tilespmem:v0+s12+$0x0] =	vst.idx.add.f32.msk $0xffff, v3  }
0x7e: {  	v8 =	vor.u32 $0x1, v0;
	v3 =	vld.idx.msk [tilespmem:v1+s5+$0x0], $0xffff  }
0x7f: {  	v9 =	vor.u32 $0x2, v4  }
0x80: {  	v10 =	vld.idx.msk [tilespmem:v2+s5+$0x0], $0xffff;
	v1 =	vshll.u32 v5, $0x2  }
0x81: {  	v11 =	vor.u32 $0x1, v2  }
0x82: {  	v6 =	vld [tilespmem:s31+$0x17680]  }
0x83: {  	[tilespmem:v8+s12+$0x0] =	vst.idx.add.f32.msk $0xffff, v3;
	v3 =	vshll.u32 v7, $0x2  }
0x84: {  	v7 =	vor.u32 $0x2, v0;
	v5 =	vld.idx.msk [tilespmem:v9+s5+$0x0], $0xffff  }
0x85: {  	v4 =	vor.u32 $0x3, v4;
	[tilespmem:v1+s12+$0x0] =	vst.idx.add.f32.msk $0xffff, v10  }
0x86: {  	s24 =	simm.s32 $0x30;
	v8 =	vld.idx.msk [tilespmem:v11+s5+$0x0], $0xffff  }
0x87: {  	v10 =	vor.u32 $0x1, v1;
	v11 =	vld [tilespmem:s24+$0x14E80]  }
0x88: {  	s23 =	simm.s32 $0x100;
	v12 =	vor.u32 $0x2, v2;
	v9 =	vld.idx.msk [tilespmem:v3+s5+$0x0], $0xffff  }
.LBB2_5:
0x89: {  	p1 =	sne.s32 s23, $0x4FC0;
	v13 =	vshll.u32 v6, $0x2;
	[tilespmem:v7+s12+$0x0] =	vst.idx.add.f32.msk $0xffff, v5  }
0x8a: {  	v14 =	vor.u32 $0x1, v3;
	v15 =	vld.idx.msk [tilespmem:v4+s5+$0x0], $0xffff  }
0x8b: {  	v16 =	vor.u32 $0x3, v0;
	v0 =	vmov v1;
	v1 =	vmov v13;
	v6 =	vld [tilespmem:s24+$0x17680]  }
0x8c: {  	[tilespmem:v10+s12+$0x0] =	vst.idx.add.f32.msk $0xffff, v8  }
0x8d: {  	v17 =	vshll.u32 v11, $0x2;
	v5 =	vld.idx.msk [tilespmem:v12+s5+$0x0], $0xffff  }
.Ltmp3:
0x8e: {  	v7 =	vor.u32 $0x2, v0;
	[tilespmem:v13+s12+$0x0] =	vst.idx.add.f32.msk $0xffff, v9;
	(pc) =	sbr.rel @p1 .LBB2_5-.Ltmp3, $4  }
0x8f: {  	v4 =	vor.u32 $0x3, v2;
	v2 =	vmov v3;
	v3 =	vmov v17;
	v8 =	vld.idx.msk [tilespmem:v14+s5+$0x0], $0xffff  }
0x90: {  	s24 =	sshra.s32 s23, $0x2;
	[tilespmem:v16+s12+$0x0] =	vst.idx.add.f32.msk $0xffff, v15  }
0x91: {  	v10 =	vor.u32 $0x1, v1;
	v11 =	vld [tilespmem:s24+$0x14E80]  }
0x92: {  	s23 =	sadd.s32 $0x40, s23;
	v12 =	vor.u32 $0x2, v2;
	v9 =	vld.idx.msk [tilespmem:v17+s5+$0x0], $0xffff  }
0x93: {  	_ =	sdelay $0x2  }
0x94: {  	v13 =	vld [tilespmem:s24+$0x17680];
	v11 =	vshll.u32 v11, $0x2;
	_ =	sdelay $0x2  }
0x95: {  	v6 =	vshll.u32 v6, $0x2  }
0x96: {  	v14 =	vor.u32 $0x1, v3  }
0x97: {  	v13 =	vshll.u32 v13, $0x2;
	v15 =	vld.idx.msk [tilespmem:v11+s5+$0x0], $0xffff  }
0x98: {  	[tilespmem:v7+s12+$0x0] =	vst.idx.add.f32.msk $0xffff, v5;
	v51 =	vor.u32 $0x1, v11  }
0x99: {  	[tilespmem:v10+s12+$0x0] =	vst.idx.add.f32.msk $0xffff, v8  }
0x9a: {  	[tilespmem:v6+s12+$0x0] =	vst.idx.add.f32.msk $0xffff, v9  }
0x9b: {  	v54 =	vor.u32 $0x1, v6;
	v53 =	vld.idx.msk [tilespmem:v14+s5+$0x0], $0xffff  }
0x9c: {  	v16 =	vor.u32 $0x2, v3;
	[tilespmem:v13+s12+$0x0] =	vst.idx.add.f32.msk $0xffff, v15  }
0x9d: {  	v55 =	vor.u32 $0x1, v13;
	v8 =	vld.idx.msk [tilespmem:v51+s5+$0x0], $0xffff  }
0x9e: {  	v4 =	vld.idx.msk [tilespmem:v4+s5+$0x0], $0xffff;
	v56 =	vor.u32 $0x2, v11  }
0x9f: {  	v52 =	vor.u32 $0x2, v1;
	v10 =	vld.idx.msk [tilespmem:v12+s5+$0x0], $0xffff  }
0xa0: {  	v2 =	vor.u32 $0x3, v2;
	[tilespmem:v54+s12+$0x0] =	vst.idx.add.f32.msk $0xffff, v53  }
0xa1: {  	v58 =	vor.u32 $0x2, v6;
	v57 =	vld.idx.msk [tilespmem:v16+s5+$0x0], $0xffff  }
0xa2: {  	v59 =	vor.u32 $0x3, v3;
	[tilespmem:v55+s12+$0x0] =	vst.idx.add.f32.msk $0xffff, v8  }
0xa3: {  	v60 =	vor.u32 $0x2, v13;
	v5 =	vld.idx.msk [tilespmem:v56+s5+$0x0], $0xffff  }
0xa4: {  	v61 =	vor.u32 $0x3, v11;
	[tilespmem:v52+s12+$0x0] =	vst.idx.add.f32.msk $0xffff, v10  }
0xa5: {  	v2 =	vld.idx.msk [tilespmem:v2+s5+$0x0], $0xffff  }
0xa6: {  	v0 =	vor.u32 $0x3, v0;
	[tilespmem:v58+s12+$0x0] =	vst.idx.add.f32.msk $0xffff, v57  }
0xa7: {  	v62 =	vor.u32 $0x3, v1;
	v3 =	vld.idx.msk [tilespmem:v59+s5+$0x0], $0xffff  }
0xa8: {  	v6 =	vor.u32 $0x3, v6;
	[tilespmem:v60+s12+$0x0] =	vst.idx.add.f32.msk $0xffff, v5  }
0xa9: {  	v63 =	vor.u32 $0x3, v13;
	v5 =	vld.idx.msk [tilespmem:v61+s5+$0x0], $0xffff  }
.Ltmp4:
0xaa: {  	_ = 	snop;
	(pc) =	sbr.rel @p0 .LBB2_8-.Ltmp4, $4  }
0xab: {  	[tilespmem:v0+s12+$0x0] =	vst.idx.add.f32.msk $0xffff, v4  }
0xac: {  	[tilespmem:v62+s12+$0x0] =	vst.idx.add.f32.msk $0xffff, v2  }
0xad: {  	[tilespmem:v6+s12+$0x0] =	vst.idx.add.f32.msk $0xffff, v3  }
0xae: {  	[tilespmem:v63+s12+$0x0] =	vst.idx.add.f32.msk $0xffff, v5  }
0xaf: {  	_ =	swait.ge [sflag:s19], $0x1400  }
.Ltmp5:
0xb0: {  	[sflag:s19] =	ssyncset.done $0x0;
	(pc) =	sbr.rel .LBB2_2-.Ltmp5, $4  }
0xb1: {  	[sflag:s19] =	ssyncadd.s32 $0xFFFFEC00  }
0xb2: {  	_ =	swait.ge [sflag:s20], $0x1400  }
0xb3: {  	[sflag:s20] =	ssyncset.done $0x0  }
0xb4: {  	s22 =	sadd.s32 $0x1, s22;
	[sflag:s20] =	ssyncadd.s32 $0xFFFFEC00  }
.LBB2_9:
0xb5: {  	_ =	sfence.sel $0x180000  }
0xb6: {  	[bflag:$0x0] =	sbarrier.arrive $0xFFFF  }
0xb7: {  	p0 =	sne.s32 s1, $0x0;
	_ =	strace $0x90000047  }
0xb8: {  	s0 =	sadd.s32 @!p0 $0x100000, s3;
	[bflag:$0x2] =	sbarrier.arrive $0xFFFF  }
0xb9: {  	[sflag:s0] =	ssyncadd.tile.s32 @!p0 $0x1;
	_ =	shalt  }
.Lfunc_end2:
_tile_overlayer_lowered:
.L_overlay_start_2:
0xba: {  	(tag) =	ssettag $0x2  }
0xbb: {  	s0 =	rddreg [dreg:$0x0];
	s2 =	stileid.u32  }
0xbc: {  	s1 =	rddreg [dreg:$0x1];
	p0 =	sne.s32 s2, $0x0  }
0xbd: {  	s3 =	rddreg [dreg:$0x2];
	[bflag:$0x3] =	sbarrier.arrive $0xFFFF;
	s2 =	simm.s32 @!p0 $0x1C05  }
0xbe: {  	[timem:s3], [sflag:s2] =	dma.local @!p0 [hbm:s0], s1  }
0xbf: {  	s0 =	simm.s32 @!p0 $0x5  }
0xc0: {  	_ =	swait.ge @!p0 [sflag:s0], s1  }
0xc1: {  	s1 =	ssub.s32 @!p0 $0x0, s1;
	[sflag:s0] =	ssyncset.done @!p0 $0x0  }
0xc2: {  	[sflag:s0] =	ssyncadd.s32 @!p0 s1  }
0xc3: {  	[bflag:$0x3] =	sbarrier.arrive $0xFFFF  }
0xc4: {  	_ =	shalt  }

</sc_bundles>
